<compile_context>
chip_gen: v7x
topology: tpu7x:2x2x1
jax: 0.10.2.dev20260603
libtpu: 0.0.44.dev20260713+nightly
codegen_flags: <defaults>
</compile_context>

<pallas_src>
import jax
import jax.numpy as jnp
from jax import lax
from jax.experimental import pallas as pl
from jax.experimental.pallas import tpu as pltpu
from jax.experimental.pallas import tpu_sc as plsc

_DELTA = 0.1
_INV2D = 1.0 / (2.0 * _DELTA)


def _sc_compact_body(l_hbm, t_hbm, fgx_hbm, bgl_hbm, cnt_hbm,
                     l_v, t_v, fgx_v, bgl_v, cnt_v):
    N = l_v.shape[0]
    cid = lax.axis_index("c")
    sid = lax.axis_index("s")

    @pl.when((cid == 0) & (sid == 0))
    def _():
        pltpu.sync_copy(l_hbm, l_v)
        pltpu.sync_copy(t_hbm, t_v)

        def fill(i, carry):
            off = pl.ds(i * 16, 16)
            fgx_v[off] = jnp.full((16,), jnp.inf, jnp.float32)
            bgl_v[off] = jnp.full((16,), -jnp.inf, jnp.float32)
            return carry

        lax.fori_loop(0, (N + 16) // 16, fill, 0)

        iota = lax.iota(jnp.int32, 16)

        def step(i, carry):
            nfg, nbg = carry
            lv = l_v[pl.ds(i * 16, 16)] * _INV2D + 0.5
            tv = t_v[pl.ds(i * 16, 16)]
            m = tv > 0.0
            nm = jnp.logical_not(m)
            mi = m.astype(jnp.int32)
            csf = plsc.cumsum(mi)
            posf = nfg + csf - 1
            plsc.store_scatter(fgx_v, [posf], lv, mask=m)
            posb = nbg + iota - csf
            plsc.store_scatter(bgl_v, [posb], lv, mask=nm)
            c = csf[15]
            return nfg + c, nbg + (16 - c)

        nfg, nbg = lax.fori_loop(0, N // 16, step,
                                 (jnp.int32(0), jnp.int32(0)))

        nfg_v = jnp.broadcast_to(nfg, (16,))
        nbg_v = jnp.broadcast_to(nbg, (16,))
        cnt_v[...] = jnp.where(iota == 0, nfg_v, jnp.where(iota == 1, nbg_v, 0))
        pltpu.sync_copy(fgx_v.at[pl.ds(0, N)], fgx_hbm)
        pltpu.sync_copy(bgl_v.at[pl.ds(0, N)], bgl_hbm)
        pltpu.sync_copy(cnt_v, cnt_hbm)


def _sc_compact(l_flat, t_flat):
    N = l_flat.shape[0]
    mesh = plsc.VectorSubcoreMesh(core_axis_name="c", subcore_axis_name="s")
    f = pl.kernel(
        _sc_compact_body,
        out_type=[
            jax.ShapeDtypeStruct((N,), jnp.float32),
            jax.ShapeDtypeStruct((N,), jnp.float32),
            jax.ShapeDtypeStruct((16,), jnp.int32),
        ],
        mesh=mesh,
        compiler_params=pltpu.CompilerParams(needs_layout_passes=False),
        scratch_types=[
            pltpu.VMEM((N,), jnp.float32),
            pltpu.VMEM((N,), jnp.float32),
            pltpu.VMEM((N + 16,), jnp.float32),
            pltpu.VMEM((N + 16,), jnp.float32),
            pltpu.VMEM((16,), jnp.int32),
        ],
    )
    return f(l_flat, t_flat)


def _pair_kernel(cnt_ref, xcol_ref, fgl_ref, bgl_ref,
                 out_ref, accfp_ref, accrp_ref):
    i = pl.program_id(0)
    BX = xcol_ref.shape[0]
    NJ, _, BL = fgl_ref.shape
    NT = BL // 128
    nfg = cnt_ref[0]
    nbg = cnt_ref[1]

    @pl.when(i == 0)
    def _():
        out_ref[...] = jnp.zeros_like(out_ref)

    @pl.when(i * BX < nfg)
    def _():
        x = xcol_ref[...] - 0.5
        nj_fg = lax.div(nfg + BL - 1, BL)
        nj_bg = lax.div(nbg + BL - 1, BL)
        accfp_ref[...] = jnp.zeros_like(accfp_ref)
        accrp_ref[...] = jnp.zeros_like(accrp_ref)

        def chunk_update(l3_ref, acc_ref, jj):
            rel = jnp.clip(l3_ref[jj] - x, 0.0, 1.0)
            part = rel[:, 0:128]
            for t in range(1, NT):
                part = part + rel[:, t * 128:(t + 1) * 128]
            acc_ref[...] += part

        def step(jj, carry):
            @pl.when(jj < nj_fg)
            def _():
                chunk_update(fgl_ref, accrp_ref, jj)

            @pl.when(jj < nj_bg)
            def _():
                chunk_update(bgl_ref, accfp_ref, jj)
            return carry

        lax.fori_loop(0, jnp.maximum(nj_fg, nj_bg), step, 0)

        fp = jnp.sum(accfp_ref[...], axis=1, keepdims=True)
        rp = jnp.sum(accrp_ref[...], axis=1, keepdims=True)
        pad_fg = (nj_fg * BL - nfg).astype(jnp.float32)
        rank = fp + rp - pad_fg
        err = fp / jnp.where(rank > 0.0, rank, 1.0)
        rows = i * BX + lax.broadcasted_iota(jnp.int32, (BX, 1), 0)
        err = jnp.where(rows < nfg, err, 0.0)
        out_ref[...] += jnp.full((1, 1), jnp.sum(err), dtype=jnp.float32)


def _pair_stage(fgx_s, bgl_s, cnt):
    N = fgx_s.shape[0]
    BX = 1024
    BL = 2048
    NJ = N // BL
    return pl.pallas_call(
        _pair_kernel,
        grid=(N // BX,),
        in_specs=[
            pl.BlockSpec(memory_space=pltpu.SMEM),
            pl.BlockSpec((BX, 1), lambda i: (i, 0)),
            pl.BlockSpec((NJ, 1, BL), lambda i: (0, 0, 0)),
            pl.BlockSpec((NJ, 1, BL), lambda i: (0, 0, 0)),
        ],
        out_specs=pl.BlockSpec((1, 1), lambda i: (0, 0)),
        out_shape=jax.ShapeDtypeStruct((1, 1), jnp.float32),
        scratch_shapes=[
            pltpu.VMEM((BX, 128), jnp.float32),
            pltpu.VMEM((BX, 128), jnp.float32),
        ],
    )(cnt, fgx_s.reshape(N, 1), fgx_s.reshape(NJ, 1, BL),
      bgl_s.reshape(NJ, 1, BL))


def kernel(Pred, targets):
    l_flat = Pred.reshape(-1).astype(jnp.float32)
    t_flat = targets.reshape(-1).astype(jnp.float32)
    fgx_s, bgl_s, cnt = _sc_compact(l_flat, t_flat)
    err_sum = _pair_stage(fgx_s, bgl_s, cnt)
    fg_n = cnt[0].astype(jnp.float32)
    s = err_sum[0, 0]
    return jnp.where(fg_n > 0.0, s / jnp.where(fg_n > 0.0, fg_n, 1.0), 0.0)

# --- scband reference (transcript-rebuilt; emitter-appended) ---
"""Pipeline reference for scband-rank-loss-last-70798240907926 (READ-ONLY COPY).

The authoritative reference and input builder live on the scoring server;
editing this copy changes nothing except your own understanding.
"""

import jax, jax.numpy as jnp
import numpy as np


def setup_inputs(seed: int = 0):
    key = jax.random.key(seed)
    k1, k2 = jax.random.split(key)
    Pred = jax.random.normal(k1, (4, 1, 64, 64), dtype=jnp.float32)
    targets = jax.random.normal(k2, (4, 1, 64, 64), dtype=jnp.float32)
    return {"Pred": Pred, "targets": targets}


def reference(Pred, targets):
    delta = 0.1
    split = 4
    B = Pred.shape[0]
    logits = Pred.reshape(B, -1)
    t = targets.reshape(B, -1)
    fg_labels = t > 0
    flat_logits = logits.reshape(-1)
    flat_fg = fg_labels.reshape(-1)
    N = flat_logits.shape[0]
    fg_num = jnp.sum(flat_fg.astype(jnp.int32))
    fg_mask = flat_fg.astype(flat_logits.dtype)
    fg_or_inf = jnp.where(flat_fg, flat_logits, jnp.inf)
    threshold_logit = jnp.min(fg_or_inf) - delta
    relevant_bg = jnp.logical_not(flat_fg) & (flat_logits >= threshold_logit)
    bg_mask = relevant_bg.astype(flat_logits.dtype)
    fg_logits_sorted = jnp.sort(fg_or_inf)

    def per_element(x):
        relations = jnp.clip((flat_logits - x) / (2 * delta) + 0.5, 0.0, 1.0)
        rank_pos = jnp.sum(fg_mask * relations)
        FP_num = jnp.sum(bg_mask * relations)
        rank = rank_pos + FP_num
        return FP_num / jnp.where(rank > 0, rank, 1.0)

    ranking_error = jax.lax.map(per_element, fg_logits_sorted)
    valid = jnp.arange(N) < fg_num
    err_sum = jnp.sum(jnp.where(valid, ranking_error, 0.0))
    fg_num_f = fg_num.astype(flat_logits.dtype)
    mean_err = err_sum / jnp.where(fg_num > 0, fg_num_f, 1.0)
    return jnp.where(fg_num > 0, mean_err, jnp.mean(flat_logits - flat_logits))

if __name__ == "__main__":
    import jax
    _d = setup_inputs()
    print(jax.jit(kernel)(*tuple(_d.values())))

</pallas_src>

<mosaic_0001>
#map = affine_map<(d0, d1) -> (0)>
module attributes {stable_mosaic.version = 14 : i64} {
  func.func @_sc_compact_body(%arg0: i32, %arg1: i32, %arg2: memref<16384xf32, #tpu.memory_space<hbm>>, %arg3: memref<16384xf32, #tpu.memory_space<hbm>>, %arg4: memref<16384xf32, #tpu.memory_space<hbm>>, %arg5: memref<16384xf32, #tpu.memory_space<hbm>>, %arg6: memref<16xi32, #tpu.memory_space<hbm>>, %arg7: memref<16384xf32, #tpu.memory_space<vmem>>, %arg8: memref<16384xf32, #tpu.memory_space<vmem>>, %arg9: memref<16400xf32, #tpu.memory_space<vmem>>, %arg10: memref<16400xf32, #tpu.memory_space<vmem>>, %arg11: memref<16xi32, #tpu.memory_space<vmem>>) attributes {dimension_semantics = [#tpu.dimension_semantics<core_parallel>, #tpu.dimension_semantics<subcore_parallel>], iteration_bounds = array<i64: 2, 16>, scalar_prefetch = 0 : i64, scratch_operands = 5 : i64, tpu.core_type = #tpu.core_type<sc_vector_subcore>, window_params = [{transform_indices = #map}, {transform_indices = #map}, {transform_indices = #map}, {transform_indices = #map}, {transform_indices = #map}]} {
    %eq3A = arith.constant 0 : i32
    %eq3A_0 = arith.cmpi eq, %arg0, %eq3A : i32
    %eq3A_1 = arith.constant 0 : i32
    %eq3A_2 = arith.cmpi eq, %arg1, %eq3A_1 : i32
    %and3A = arith.andi %eq3A_0, %eq3A_2 : i1
    %convert_element_type3A = arith.extui %and3A : i1 to i32
    %cond3A = arith.constant 0 : i32
    %cond3A_3 = arith.cmpi ne, %convert_element_type3A, %cond3A : i32
    scf.if %cond3A_3 {
      "tpu.region"() ({
        %run_scoped3A = tpu.sem_alloc : memref<!tpu.dma_semaphore, #tpu.memory_space<semaphore_mem>>
        tpu.enqueue_dma source(%arg2 : memref<16384xf32, #tpu.memory_space<hbm>>) target(%arg7 : memref<16384xf32, #tpu.memory_space<vmem>>) target_semaphore(%run_scoped3A : memref<!tpu.dma_semaphore, #tpu.memory_space<semaphore_mem>>)
        tpu.wait_dma2 semaphore(%run_scoped3A : memref<!tpu.dma_semaphore, #tpu.memory_space<semaphore_mem>>) src(%arg2 : memref<16384xf32, #tpu.memory_space<hbm>>) dst(%arg7 : memref<16384xf32, #tpu.memory_space<vmem>>)
        tpu.yield
      }) : () -> ()
      "tpu.region"() ({
        %run_scoped3A = tpu.sem_alloc : memref<!tpu.dma_semaphore, #tpu.memory_space<semaphore_mem>>
        tpu.enqueue_dma source(%arg3 : memref<16384xf32, #tpu.memory_space<hbm>>) target(%arg8 : memref<16384xf32, #tpu.memory_space<vmem>>) target_semaphore(%run_scoped3A : memref<!tpu.dma_semaphore, #tpu.memory_space<semaphore_mem>>)
        tpu.wait_dma2 semaphore(%run_scoped3A : memref<!tpu.dma_semaphore, #tpu.memory_space<semaphore_mem>>) src(%arg3 : memref<16384xf32, #tpu.memory_space<hbm>>) dst(%arg8 : memref<16384xf32, #tpu.memory_space<vmem>>)
        tpu.yield
      }) : () -> ()
      %scan3A = arith.constant 0 : i32
      %scan3A_4 = arith.constant 0 : i32
      %scan3A_5 = arith.constant 1025 : i32
      %scan3A_6 = arith.addi %scan3A_4, %scan3A_5 : i32
      %scan3A_7 = arith.constant 1 : i32
      scf.for %scan3A_27 = %scan3A_4 to %scan3A_6 step %scan3A_7  : i32 {
        %mul3A = arith.constant 16 : i32
        %mul3A_28 = arith.muli %scan3A_27, %mul3A : i32
        %broadcast_in_dim3A_29 = arith.constant 0x7F800000 : f32
        %broadcast_in_dim3A_30 = vector.broadcast %broadcast_in_dim3A_29 : f32 to vector<16xf32>
        %swap3A_31 = arith.index_cast %mul3A_28 : i32 to index
        %swap3A_32 = tpu.vector_load %arg9[%swap3A_31] {strides = array<i32>} : memref<16400xf32, #tpu.memory_space<vmem>>, vector<16xf32>,
        tpu.vector_store %arg9[%swap3A_31], %broadcast_in_dim3A_30 {strides = array<i32>} : memref<16400xf32, #tpu.memory_space<vmem>>, vector<16xf32>,
        %broadcast_in_dim3A_33 = arith.constant 0xFF800000 : f32
        %broadcast_in_dim3A_34 = vector.broadcast %broadcast_in_dim3A_33 : f32 to vector<16xf32>
        %swap3A_35 = arith.index_cast %mul3A_28 : i32 to index
        %swap3A_36 = tpu.vector_load %arg10[%swap3A_35] {strides = array<i32>} : memref<16400xf32, #tpu.memory_space<vmem>>, vector<16xf32>,
        tpu.vector_store %arg10[%swap3A_35], %broadcast_in_dim3A_34 {strides = array<i32>} : memref<16400xf32, #tpu.memory_space<vmem>>, vector<16xf32>,
      }
      %scan3A_8 = arith.constant 1025 : i32
      %iota3A = tpu.iota {dimensions = array<i32: 0>} : vector<16xi32>
      %scan3A_9 = arith.constant 0 : i32
      %scan3A_10 = arith.constant 0 : i32
      %scan3A_11 = arith.constant 0 : i32
      %scan3A_12 = arith.constant 1024 : i32
      %scan3A_13 = arith.addi %scan3A_11, %scan3A_12 : i32
      %scan3A_14 = arith.constant 1 : i32
      %scan3A_15:2 = scf.for %scan3A_27 = %scan3A_11 to %scan3A_13 step %scan3A_14 iter_args(%scan3A_28 = %scan3A_9, %scan3A_29 = %scan3A_10) -> (i32, i32)  : i32 {
        %mul3A = arith.constant 16 : i32
        %mul3A_30 = arith.muli %scan3A_27, %mul3A : i32
        %get3A = arith.index_cast %mul3A_30 : i32 to index
        %get3A_31 = tpu.vector_load %arg7[%get3A] {strides = array<i32>} : memref<16384xf32, #tpu.memory_space<vmem>>, vector<16xf32>,
        %mul3A_32 = arith.constant 5.000000e+00 : f32
        %mul3A_33 = vector.broadcast %mul3A_32 : f32 to vector<16xf32>
        %mul3A_34 = arith.mulf %get3A_31, %mul3A_33 : vector<16xf32>
        %add3A = arith.constant 5.000000e-01 : f32
        %add3A_35 = vector.broadcast %add3A : f32 to vector<16xf32>
        %add3A_36 = arith.addf %mul3A_34, %add3A_35 : vector<16xf32>
        %mul3A_37 = arith.constant 16 : i32
        %mul3A_38 = arith.muli %scan3A_27, %mul3A_37 : i32
        %get3A_39 = arith.index_cast %mul3A_38 : i32 to index
        %get3A_40 = tpu.vector_load %arg8[%get3A_39] {strides = array<i32>} : memref<16384xf32, #tpu.memory_space<vmem>>, vector<16xf32>,
        %gt3A = arith.constant 0.000000e+00 : f32
        %gt3A_41 = vector.broadcast %gt3A : f32 to vector<16xf32>
        %gt3A_42 = arith.cmpf ogt, %get3A_40, %gt3A_41 : vector<16xf32>
        %not3A = arith.constant dense<true> : vector<16xi1>
        %not3A_43 = arith.xori %gt3A_42, %not3A : vector<16xi1>
        %convert_element_type3A_44 = arith.extui %gt3A_42 : vector<16xi1> to vector<16xi32>
        %broadcast_in_dim3A_45 = arith.constant true
        %broadcast_in_dim3A_46 = vector.broadcast %broadcast_in_dim3A_45 : i1 to vector<16xi1>
        %masked_cumsum3A = tpu.scan <sum>, %convert_element_type3A_44 masked %broadcast_in_dim3A_46 : vector<16xi32>, vector<16xi1> -> vector<16xi32>
        %add3A_47 = vector.broadcast %scan3A_28 : i32 to vector<16xi32>
        %add3A_48 = arith.addi %add3A_47, %masked_cumsum3A : vector<16xi32>
        %sub3A = arith.constant 1 : i32
        %sub3A_49 = vector.broadcast %sub3A : i32 to vector<16xi32>
        %sub3A_50 = arith.subi %add3A_48, %sub3A_49 : vector<16xi32>
        tpu.vector_store_idx %arg9[%sub3A_50], %add3A_36 masked %gt3A_42 : memref<16400xf32, #tpu.memory_space<vmem>>[vector<16xi32>], vector<16xf32>, vector<16xi1>
        %add3A_51 = vector.broadcast %scan3A_29 : i32 to vector<16xi32>
        %add3A_52 = arith.addi %add3A_51, %iota3A : vector<16xi32>
        %sub3A_53 = arith.subi %add3A_52, %masked_cumsum3A : vector<16xi32>
        tpu.vector_store_idx %arg10[%sub3A_53], %add3A_36 masked %not3A_43 : memref<16400xf32, #tpu.memory_space<vmem>>[vector<16xi32>], vector<16xf32>, vector<16xi1>
        %slice3A = vector.extract_strided_slice %masked_cumsum3A {offsets = [15], sizes = [1], strides = [1]} : vector<16xi32> to vector<1xi32>
        %squeeze3A = vector.extract %slice3A[0] : i32 from vector<1xi32>
        %add3A_54 = arith.addi %scan3A_28, %squeeze3A : i32
        %sub3A_55 = arith.constant 16 : i32
        %sub3A_56 = arith.subi %sub3A_55, %squeeze3A : i32
        %add3A_57 = arith.addi %scan3A_29, %sub3A_56 : i32
        scf.yield %add3A_54, %add3A_57 : i32, i32
      }
      %scan3A_16 = arith.constant 1024 : i32
      %broadcast_in_dim3A = vector.broadcast %scan3A_15#0 : i32 to vector<16xi32>
      %broadcast_in_dim3A_17 = vector.broadcast %scan3A_15#1 : i32 to vector<16xi32>
      %eq3A_18 = arith.constant 0 : i32
      %eq3A_19 = vector.broadcast %eq3A_18 : i32 to vector<16xi32>
      %eq3A_20 = arith.cmpi eq, %iota3A, %eq3A_19 : vector<16xi32>
      %eq3A_21 = arith.constant 1 : i32
      %eq3A_22 = vector.broadcast %eq3A_21 : i32 to vector<16xi32>
      %eq3A_23 = arith.cmpi eq, %iota3A, %eq3A_22 : vector<16xi32>
      %jit3A = arith.constant 0 : i32
      %broadcast_in_dim3A_24 = vector.broadcast %jit3A : i32 to vector<16xi32>
      %select_n3A = arith.select %eq3A_23, %broadcast_in_dim3A_17, %broadcast_in_dim3A_24 : vector<16xi1>, vector<16xi32>
      %select_n3A_25 = arith.select %eq3A_20, %broadcast_in_dim3A, %select_n3A : vector<16xi1>, vector<16xi32>
      %swap3A = arith.constant 0 : index
      %swap3A_26 = tpu.vector_load %arg11[%swap3A] {strides = array<i32>} : memref<16xi32, #tpu.memory_space<vmem>>, vector<16xi32>,
      tpu.vector_store %arg11[%swap3A], %select_n3A_25 {strides = array<i32>} : memref<16xi32, #tpu.memory_space<vmem>>, vector<16xi32>,
      "tpu.region"() ({
        %run_scoped3A = tpu.sem_alloc : memref<!tpu.dma_semaphore, #tpu.memory_space<semaphore_mem>>
        %dma_start3A = arith.constant 0 : i32
        %dma_start3A_27 = tpu.memref_slice %arg9[%dma_start3A] : memref<16400xf32, #tpu.memory_space<vmem>> -> memref<16384xf32, #tpu.memory_space<vmem>>
        %dma_start3A_28 = arith.constant 0 : i32
        %dma_start3A_29 = tpu.memref_slice %arg9[%dma_start3A_28] : memref<16400xf32, #tpu.memory_space<vmem>> -> memref<16384xf32, #tpu.memory_space<vmem>>
        tpu.enqueue_dma source(%dma_start3A_29 : memref<16384xf32, #tpu.memory_space<vmem>>) target(%arg4 : memref<16384xf32, #tpu.memory_space<hbm>>) target_semaphore(%run_scoped3A : memref<!tpu.dma_semaphore, #tpu.memory_space<semaphore_mem>>)
        %dma_wait3A = arith.constant 0 : i32
        %dma_wait3A_30 = tpu.memref_slice %arg9[%dma_wait3A] : memref<16400xf32, #tpu.memory_space<vmem>> -> memref<16384xf32, #tpu.memory_space<vmem>>
        %dma_wait3A_31 = arith.constant 0 : i32
        %dma_wait3A_32 = tpu.memref_slice %arg9[%dma_wait3A_31] : memref<16400xf32, #tpu.memory_space<vmem>> -> memref<16384xf32, #tpu.memory_space<vmem>>
        tpu.wait_dma2 semaphore(%run_scoped3A : memref<!tpu.dma_semaphore, #tpu.memory_space<semaphore_mem>>) src(%dma_wait3A_32 : memref<16384xf32, #tpu.memory_space<vmem>>) dst(%arg4 : memref<16384xf32, #tpu.memory_space<hbm>>)
        tpu.yield
      }) : () -> ()
      "tpu.region"() ({
        %run_scoped3A = tpu.sem_alloc : memref<!tpu.dma_semaphore, #tpu.memory_space<semaphore_mem>>
        %dma_start3A = arith.constant 0 : i32
        %dma_start3A_27 = tpu.memref_slice %arg10[%dma_start3A] : memref<16400xf32, #tpu.memory_space<vmem>> -> memref<16384xf32, #tpu.memory_space<vmem>>
        %dma_start3A_28 = arith.constant 0 : i32
        %dma_start3A_29 = tpu.memref_slice %arg10[%dma_start3A_28] : memref<16400xf32, #tpu.memory_space<vmem>> -> memref<16384xf32, #tpu.memory_space<vmem>>
        tpu.enqueue_dma source(%dma_start3A_29 : memref<16384xf32, #tpu.memory_space<vmem>>) target(%arg5 : memref<16384xf32, #tpu.memory_space<hbm>>) target_semaphore(%run_scoped3A : memref<!tpu.dma_semaphore, #tpu.memory_space<semaphore_mem>>)
        %dma_wait3A = arith.constant 0 : i32
        %dma_wait3A_30 = tpu.memref_slice %arg10[%dma_wait3A] : memref<16400xf32, #tpu.memory_space<vmem>> -> memref<16384xf32, #tpu.memory_space<vmem>>
        %dma_wait3A_31 = arith.constant 0 : i32
        %dma_wait3A_32 = tpu.memref_slice %arg10[%dma_wait3A_31] : memref<16400xf32, #tpu.memory_space<vmem>> -> memref<16384xf32, #tpu.memory_space<vmem>>
        tpu.wait_dma2 semaphore(%run_scoped3A : memref<!tpu.dma_semaphore, #tpu.memory_space<semaphore_mem>>) src(%dma_wait3A_32 : memref<16384xf32, #tpu.memory_space<vmem>>) dst(%arg5 : memref<16384xf32, #tpu.memory_space<hbm>>)
        tpu.yield
      }) : () -> ()
      "tpu.region"() ({
        %run_scoped3A = tpu.sem_alloc : memref<!tpu.dma_semaphore, #tpu.memory_space<semaphore_mem>>
        tpu.enqueue_dma source(%arg11 : memref<16xi32, #tpu.memory_space<vmem>>) target(%arg6 : memref<16xi32, #tpu.memory_space<hbm>>) target_semaphore(%run_scoped3A : memref<!tpu.dma_semaphore, #tpu.memory_space<semaphore_mem>>)
        tpu.wait_dma2 semaphore(%run_scoped3A : memref<!tpu.dma_semaphore, #tpu.memory_space<semaphore_mem>>) src(%arg11 : memref<16xi32, #tpu.memory_space<vmem>>) dst(%arg6 : memref<16xi32, #tpu.memory_space<hbm>>)
        tpu.yield
      }) : () -> ()
    } else {
    }
    return
  }
}

module attributes {stable_mosaic.version = 14 : i64} {
  func.func @_pair_kernel(%arg0: i32, %arg1: memref<16xi32, #tpu.memory_space<smem>>, %arg2: memref<1024x1xf32, #tpu.memory_space<vmem>>, %arg3: memref<8x1x2048xf32, #tpu.memory_space<vmem>>, %arg4: memref<8x1x2048xf32, #tpu.memory_space<vmem>>, %arg5: memref<1x1xf32, #tpu.memory_space<vmem>>, %arg6: memref<1024x128xf32, #tpu.memory_space<vmem>>, %arg7: memref<1024x128xf32, #tpu.memory_space<vmem>>) attributes {dimension_semantics = [#tpu.dimension_semantics<arbitrary>], iteration_bounds = array<i64: 16>, scalar_prefetch = 0 : i64, scratch_operands = 2 : i64, tpu.core_type = #tpu.core_type<tc>, window_params = [{transform_indices = @transform_0, window_bounds = array<i64: 16>}, {transform_indices = @transform_1, window_bounds = array<i64: 1024, 1>}, {pipeline_mode = #tpu.pipeline_mode<synchronous>, transform_indices = @transform_2, window_bounds = array<i64: 8, 1, 2048>}, {pipeline_mode = #tpu.pipeline_mode<synchronous>, transform_indices = @transform_3, window_bounds = array<i64: 8, 1, 2048>}, {pipeline_mode = #tpu.pipeline_mode<synchronous>, transform_indices = @transform_4, window_bounds = array<i64: 1, 1>}]} {
    %get3A = arith.constant 0 : index
    %get3A_0 = memref.load %arg1[%get3A] : memref<16xi32, #tpu.memory_space<smem>>
    %get3A_1 = arith.constant 1 : index
    %get3A_2 = memref.load %arg1[%get3A_1] : memref<16xi32, #tpu.memory_space<smem>>
    %eq3A = arith.constant 0 : i32
    %eq3A_3 = arith.cmpi eq, %arg0, %eq3A : i32
    %convert_element_type3A = arith.extui %eq3A_3 : i1 to i32
    %cond3A = arith.constant 0 : i32
    %cond3A_4 = arith.cmpi ne, %convert_element_type3A, %cond3A : i32
    scf.if %cond3A_4 {
      %broadcast_in_dim3A = arith.constant 0.000000e+00 : f32
      %broadcast_in_dim3A_9 = vector.broadcast %broadcast_in_dim3A : f32 to vector<1x1xf32>
      %swap3A = arith.constant 0 : index
      %swap3A_10 = arith.constant 0 : index
      %swap3A_11 = vector.load %arg5[%swap3A, %swap3A_10] : memref<1x1xf32, #tpu.memory_space<vmem>>, vector<1x1xf32>
      tpu.vector_store %arg5[%swap3A, %swap3A_10], %broadcast_in_dim3A_9 {strides = array<i32>} : memref<1x1xf32, #tpu.memory_space<vmem>>, vector<1x1xf32>,
    } else {
    }
    %mul3A = arith.constant 1024 : i32
    %mul3A_5 = arith.muli %arg0, %mul3A : i32
    %lt3A = arith.cmpi slt, %mul3A_5, %get3A_0 : i32
    %convert_element_type3A_6 = arith.extui %lt3A : i1 to i32
    %cond3A_7 = arith.constant 0 : i32
    %cond3A_8 = arith.cmpi ne, %convert_element_type3A_6, %cond3A_7 : i32
    scf.if %cond3A_8 {
      %get3A_9 = arith.constant 0 : index
      %get3A_10 = arith.constant 0 : index
      %get3A_11 = vector.load %arg2[%get3A_9, %get3A_10] : memref<1024x1xf32, #tpu.memory_space<vmem>>, vector<1024x1xf32>
      %sub3A = arith.constant 5.000000e-01 : f32
      %sub3A_12 = vector.broadcast %sub3A : f32 to vector<1024x1xf32>
      %sub3A_13 = arith.subf %get3A_11, %sub3A_12 : vector<1024x1xf32>
      %add3A = arith.constant 2048 : i32
      %add3A_14 = arith.addi %get3A_0, %add3A : i32
      %sub3A_15 = arith.constant 1 : i32
      %sub3A_16 = arith.subi %add3A_14, %sub3A_15 : i32
      %div3A = arith.constant 2048 : i32
      %div3A_17 = arith.divsi %sub3A_16, %div3A : i32
      %add3A_18 = arith.constant 2048 : i32
      %add3A_19 = arith.addi %get3A_2, %add3A_18 : i32
      %sub3A_20 = arith.constant 1 : i32
      %sub3A_21 = arith.subi %add3A_19, %sub3A_20 : i32
      %div3A_22 = arith.constant 2048 : i32
      %div3A_23 = arith.divsi %sub3A_21, %div3A_22 : i32
      %broadcast_in_dim3A = arith.constant 0.000000e+00 : f32
      %broadcast_in_dim3A_24 = vector.broadcast %broadcast_in_dim3A : f32 to vector<1024x128xf32>
      %swap3A = arith.constant 0 : index
      %swap3A_25 = arith.constant 0 : index
      %swap3A_26 = vector.load %arg6[%swap3A, %swap3A_25] : memref<1024x128xf32, #tpu.memory_space<vmem>>, vector<1024x128xf32>
      tpu.vector_store %arg6[%swap3A, %swap3A_25], %broadcast_in_dim3A_24 {strides = array<i32>} : memref<1024x128xf32, #tpu.memory_space<vmem>>, vector<1024x128xf32>,
      %broadcast_in_dim3A_27 = arith.constant 0.000000e+00 : f32
      %broadcast_in_dim3A_28 = vector.broadcast %broadcast_in_dim3A_27 : f32 to vector<1024x128xf32>
      %swap3A_29 = arith.constant 0 : index
      %swap3A_30 = arith.constant 0 : index
      %swap3A_31 = vector.load %arg7[%swap3A_29, %swap3A_30] : memref<1024x128xf32, #tpu.memory_space<vmem>>, vector<1024x128xf32>
      tpu.vector_store %arg7[%swap3A_29, %swap3A_30], %broadcast_in_dim3A_28 {strides = array<i32>} : memref<1024x128xf32, #tpu.memory_space<vmem>>, vector<1024x128xf32>,
      %max3A = arith.maxsi %div3A_17, %div3A_23 : i32
      %while3A = arith.constant 0 : i32
      %while3A_32 = arith.constant 0 : i32
      %while3A_33 = arith.subi %max3A, %while3A_32 : i32
      %while3A_34 = arith.addi %while3A_32, %while3A_33 : i32
      %while3A_35 = arith.constant 1 : i32
      %while3A_36 = arith.divsi %while3A_33, %while3A_35 : i32
      %while3A_37 = arith.muli %while3A_36, %while3A_35 : i32
      %while3A_38 = arith.addi %while3A_32, %while3A_37 : i32
      %while3A_39 = arith.constant 1 : i32
      scf.for %while3A_85 = %while3A_32 to %while3A_38 step %while3A_39  : i32 {
        %lt3A_86 = arith.cmpi slt, %while3A_85, %div3A_17 : i32
        %convert_element_type3A_87 = arith.extui %lt3A_86 : i1 to i32
        %cond3A_88 = arith.constant 0 : i32
        %cond3A_89 = arith.cmpi ne, %convert_element_type3A_87, %cond3A_88 : i32
        scf.if %cond3A_89 {
          %get3A_94 = arith.index_cast %while3A_85 : i32 to index
          %get3A_95 = arith.constant 0 : index
          %get3A_96 = arith.constant 0 : index
          %get3A_97 = vector.load %arg3[%get3A_94, %get3A_95, %get3A_96] : memref<8x1x2048xf32, #tpu.memory_space<vmem>>, vector<1x1x2048xf32>
          %get3A_98 = vector.shape_cast %get3A_97 : vector<1x1x2048xf32> to vector<1x2048xf32>
          %sub3A_99 = vector.broadcast %get3A_98 : vector<1x2048xf32> to vector<1024x2048xf32>
          %sub3A_100 = vector.broadcast %sub3A_13 : vector<1024x1xf32> to vector<1024x2048xf32>
          %sub3A_101 = arith.subf %sub3A_99, %sub3A_100 : vector<1024x2048xf32>
          %jit3A_102 = arith.constant 0.000000e+00 : f32
          %jit3A_103 = arith.constant 1.000000e+00 : f32
          %max3A_104 = vector.broadcast %jit3A_102 : f32 to vector<1024x2048xf32>
          %max3A_105 = arith.maximumf %max3A_104, %sub3A_101 : vector<1024x2048xf32>
          %min3A = vector.broadcast %jit3A_103 : f32 to vector<1024x2048xf32>
          %min3A_106 = arith.minimumf %min3A, %max3A_105 : vector<1024x2048xf32>
          %slice3A = vector.extract_strided_slice %min3A_106 {offsets = [0, 0], sizes = [1024, 128], strides = [1, 1]} : vector<1024x2048xf32> to vector<1024x128xf32>
          %slice3A_107 = vector.extract_strided_slice %min3A_106 {offsets = [0, 128], sizes = [1024, 128], strides = [1, 1]} : vector<1024x2048xf32> to vector<1024x128xf32>
          %add3A_108 = arith.addf %slice3A, %slice3A_107 : vector<1024x128xf32>
          %slice3A_109 = vector.extract_strided_slice %min3A_106 {offsets = [0, 256], sizes = [1024, 128], strides = [1, 1]} : vector<1024x2048xf32> to vector<1024x128xf32>
          %add3A_110 = arith.addf %add3A_108, %slice3A_109 : vector<1024x128xf32>
          %slice3A_111 = vector.extract_strided_slice %min3A_106 {offsets = [0, 384], sizes = [1024, 128], strides = [1, 1]} : vector<1024x2048xf32> to vector<1024x128xf32>
          %add3A_112 = arith.addf %add3A_110, %slice3A_111 : vector<1024x128xf32>
          %slice3A_113 = vector.extract_strided_slice %min3A_106 {offsets = [0, 512], sizes = [1024, 128], strides = [1, 1]} : vector<1024x2048xf32> to vector<1024x128xf32>
          %add3A_114 = arith.addf %add3A_112, %slice3A_113 : vector<1024x128xf32>
          %slice3A_115 = vector.extract_strided_slice %min3A_106 {offsets = [0, 640], sizes = [1024, 128], strides = [1, 1]} : vector<1024x2048xf32> to vector<1024x128xf32>
          %add3A_116 = arith.addf %add3A_114, %slice3A_115 : vector<1024x128xf32>
          %slice3A_117 = vector.extract_strided_slice %min3A_106 {offsets = [0, 768], sizes = [1024, 128], strides = [1, 1]} : vector<1024x2048xf32> to vector<1024x128xf32>
          %add3A_118 = arith.addf %add3A_116, %slice3A_117 : vector<1024x128xf32>
          %slice3A_119 = vector.extract_strided_slice %min3A_106 {offsets = [0, 896], sizes = [1024, 128], strides = [1, 1]} : vector<1024x2048xf32> to vector<1024x128xf32>
          %add3A_120 = arith.addf %add3A_118, %slice3A_119 : vector<1024x128xf32>
          %slice3A_121 = vector.extract_strided_slice %min3A_106 {offsets = [0, 1024], sizes = [1024, 128], strides = [1, 1]} : vector<1024x2048xf32> to vector<1024x128xf32>
          %add3A_122 = arith.addf %add3A_120, %slice3A_121 : vector<1024x128xf32>
          %slice3A_123 = vector.extract_strided_slice %min3A_106 {offsets = [0, 1152], sizes = [1024, 128], strides = [1, 1]} : vector<1024x2048xf32> to vector<1024x128xf32>
          %add3A_124 = arith.addf %add3A_122, %slice3A_123 : vector<1024x128xf32>
          %slice3A_125 = vector.extract_strided_slice %min3A_106 {offsets = [0, 1280], sizes = [1024, 128], strides = [1, 1]} : vector<1024x2048xf32> to vector<1024x128xf32>
          %add3A_126 = arith.addf %add3A_124, %slice3A_125 : vector<1024x128xf32>
          %slice3A_127 = vector.extract_strided_slice %min3A_106 {offsets = [0, 1408], sizes = [1024, 128], strides = [1, 1]} : vector<1024x2048xf32> to vector<1024x128xf32>
          %add3A_128 = arith.addf %add3A_126, %slice3A_127 : vector<1024x128xf32>
          %slice3A_129 = vector.extract_strided_slice %min3A_106 {offsets = [0, 1536], sizes = [1024, 128], strides = [1, 1]} : vector<1024x2048xf32> to vector<1024x128xf32>
          %add3A_130 = arith.addf %add3A_128, %slice3A_129 : vector<1024x128xf32>
          %slice3A_131 = vector.extract_strided_slice %min3A_106 {offsets = [0, 1664], sizes = [1024, 128], strides = [1, 1]} : vector<1024x2048xf32> to vector<1024x128xf32>
          %add3A_132 = arith.addf %add3A_130, %slice3A_131 : vector<1024x128xf32>
          %slice3A_133 = vector.extract_strided_slice %min3A_106 {offsets = [0, 1792], sizes = [1024, 128], strides = [1, 1]} : vector<1024x2048xf32> to vector<1024x128xf32>
          %add3A_134 = arith.addf %add3A_132, %slice3A_133 : vector<1024x128xf32>
          %slice3A_135 = vector.extract_strided_slice %min3A_106 {offsets = [0, 1920], sizes = [1024, 128], strides = [1, 1]} : vector<1024x2048xf32> to vector<1024x128xf32>
          %add3A_136 = arith.addf %add3A_134, %slice3A_135 : vector<1024x128xf32>
          %get3A_137 = arith.constant 0 : index
          %get3A_138 = arith.constant 0 : index
          %get3A_139 = vector.load %arg7[%get3A_137, %get3A_138] : memref<1024x128xf32, #tpu.memory_space<vmem>>, vector<1024x128xf32>
          %add3A_140 = arith.addf %get3A_139, %add3A_136 : vector<1024x128xf32>
          %swap3A_141 = arith.constant 0 : index
          %swap3A_142 = arith.constant 0 : index
          %swap3A_143 = vector.load %arg7[%swap3A_141, %swap3A_142] : memref<1024x128xf32, #tpu.memory_space<vmem>>, vector<1024x128xf32>
          tpu.vector_store %arg7[%swap3A_141, %swap3A_142], %add3A_140 {strides = array<i32>} : memref<1024x128xf32, #tpu.memory_space<vmem>>, vector<1024x128xf32>,
        } else {
        }
        %lt3A_90 = arith.cmpi slt, %while3A_85, %div3A_23 : i32
        %convert_element_type3A_91 = arith.extui %lt3A_90 : i1 to i32
        %cond3A_92 = arith.constant 0 : i32
        %cond3A_93 = arith.cmpi ne, %convert_element_type3A_91, %cond3A_92 : i32
        scf.if %cond3A_93 {
          %get3A_94 = arith.index_cast %while3A_85 : i32 to index
          %get3A_95 = arith.constant 0 : index
          %get3A_96 = arith.constant 0 : index
          %get3A_97 = vector.load %arg4[%get3A_94, %get3A_95, %get3A_96] : memref<8x1x2048xf32, #tpu.memory_space<vmem>>, vector<1x1x2048xf32>
          %get3A_98 = vector.shape_cast %get3A_97 : vector<1x1x2048xf32> to vector<1x2048xf32>
          %sub3A_99 = vector.broadcast %get3A_98 : vector<1x2048xf32> to vector<1024x2048xf32>
          %sub3A_100 = vector.broadcast %sub3A_13 : vector<1024x1xf32> to vector<1024x2048xf32>
          %sub3A_101 = arith.subf %sub3A_99, %sub3A_100 : vector<1024x2048xf32>
          %jit3A_102 = arith.constant 0.000000e+00 : f32
          %jit3A_103 = arith.constant 1.000000e+00 : f32
          %max3A_104 = vector.broadcast %jit3A_102 : f32 to vector<1024x2048xf32>
          %max3A_105 = arith.maximumf %max3A_104, %sub3A_101 : vector<1024x2048xf32>
          %min3A = vector.broadcast %jit3A_103 : f32 to vector<1024x2048xf32>
          %min3A_106 = arith.minimumf %min3A, %max3A_105 : vector<1024x2048xf32>
          %slice3A = vector.extract_strided_slice %min3A_106 {offsets = [0, 0], sizes = [1024, 128], strides = [1, 1]} : vector<1024x2048xf32> to vector<1024x128xf32>
          %slice3A_107 = vector.extract_strided_slice %min3A_106 {offsets = [0, 128], sizes = [1024, 128], strides = [1, 1]} : vector<1024x2048xf32> to vector<1024x128xf32>
          %add3A_108 = arith.addf %slice3A, %slice3A_107 : vector<1024x128xf32>
          %slice3A_109 = vector.extract_strided_slice %min3A_106 {offsets = [0, 256], sizes = [1024, 128], strides = [1, 1]} : vector<1024x2048xf32> to vector<1024x128xf32>
          %add3A_110 = arith.addf %add3A_108, %slice3A_109 : vector<1024x128xf32>
          %slice3A_111 = vector.extract_strided_slice %min3A_106 {offsets = [0, 384], sizes = [1024, 128], strides = [1, 1]} : vector<1024x2048xf32> to vector<1024x128xf32>
          %add3A_112 = arith.addf %add3A_110, %slice3A_111 : vector<1024x128xf32>
          %slice3A_113 = vector.extract_strided_slice %min3A_106 {offsets = [0, 512], sizes = [1024, 128], strides = [1, 1]} : vector<1024x2048xf32> to vector<1024x128xf32>
          %add3A_114 = arith.addf %add3A_112, %slice3A_113 : vector<1024x128xf32>
          %slice3A_115 = vector.extract_strided_slice %min3A_106 {offsets = [0, 640], sizes = [1024, 128], strides = [1, 1]} : vector<1024x2048xf32> to vector<1024x128xf32>
          %add3A_116 = arith.addf %add3A_114, %slice3A_115 : vector<1024x128xf32>
          %slice3A_117 = vector.extract_strided_slice %min3A_106 {offsets = [0, 768], sizes = [1024, 128], strides = [1, 1]} : vector<1024x2048xf32> to vector<1024x128xf32>
          %add3A_118 = arith.addf %add3A_116, %slice3A_117 : vector<1024x128xf32>
          %slice3A_119 = vector.extract_strided_slice %min3A_106 {offsets = [0, 896], sizes = [1024, 128], strides = [1, 1]} : vector<1024x2048xf32> to vector<1024x128xf32>
          %add3A_120 = arith.addf %add3A_118, %slice3A_119 : vector<1024x128xf32>
          %slice3A_121 = vector.extract_strided_slice %min3A_106 {offsets = [0, 1024], sizes = [1024, 128], strides = [1, 1]} : vector<1024x2048xf32> to vector<1024x128xf32>
          %add3A_122 = arith.addf %add3A_120, %slice3A_121 : vector<1024x128xf32>
          %slice3A_123 = vector.extract_strided_slice %min3A_106 {offsets = [0, 1152], sizes = [1024, 128], strides = [1, 1]} : vector<1024x2048xf32> to vector<1024x128xf32>
          %add3A_124 = arith.addf %add3A_122, %slice3A_123 : vector<1024x128xf32>
          %slice3A_125 = vector.extract_strided_slice %min3A_106 {offsets = [0, 1280], sizes = [1024, 128], strides = [1, 1]} : vector<1024x2048xf32> to vector<1024x128xf32>
          %add3A_126 = arith.addf %add3A_124, %slice3A_125 : vector<1024x128xf32>
          %slice3A_127 = vector.extract_strided_slice %min3A_106 {offsets = [0, 1408], sizes = [1024, 128], strides = [1, 1]} : vector<1024x2048xf32> to vector<1024x128xf32>
          %add3A_128 = arith.addf %add3A_126, %slice3A_127 : vector<1024x128xf32>
          %slice3A_129 = vector.extract_strided_slice %min3A_106 {offsets = [0, 1536], sizes = [1024, 128], strides = [1, 1]} : vector<1024x2048xf32> to vector<1024x128xf32>
          %add3A_130 = arith.addf %add3A_128, %slice3A_129 : vector<1024x128xf32>
          %slice3A_131 = vector.extract_strided_slice %min3A_106 {offsets = [0, 1664], sizes = [1024, 128], strides = [1, 1]} : vector<1024x2048xf32> to vector<1024x128xf32>
          %add3A_132 = arith.addf %add3A_130, %slice3A_131 : vector<1024x128xf32>
          %slice3A_133 = vector.extract_strided_slice %min3A_106 {offsets = [0, 1792], sizes = [1024, 128], strides = [1, 1]} : vector<1024x2048xf32> to vector<1024x128xf32>
          %add3A_134 = arith.addf %add3A_132, %slice3A_133 : vector<1024x128xf32>
          %slice3A_135 = vector.extract_strided_slice %min3A_106 {offsets = [0, 1920], sizes = [1024, 128], strides = [1, 1]} : vector<1024x2048xf32> to vector<1024x128xf32>
          %add3A_136 = arith.addf %add3A_134, %slice3A_135 : vector<1024x128xf32>
          %get3A_137 = arith.constant 0 : index
          %get3A_138 = arith.constant 0 : index
          %get3A_139 = vector.load %arg6[%get3A_137, %get3A_138] : memref<1024x128xf32, #tpu.memory_space<vmem>>, vector<1024x128xf32>
          %add3A_140 = arith.addf %get3A_139, %add3A_136 : vector<1024x128xf32>
          %swap3A_141 = arith.constant 0 : index
          %swap3A_142 = arith.constant 0 : index
          %swap3A_143 = vector.load %arg6[%swap3A_141, %swap3A_142] : memref<1024x128xf32, #tpu.memory_space<vmem>>, vector<1024x128xf32>
          tpu.vector_store %arg6[%swap3A_141, %swap3A_142], %add3A_140 {strides = array<i32>} : memref<1024x128xf32, #tpu.memory_space<vmem>>, vector<1024x128xf32>,
        } else {
        }
      }
      %while3A_40 = arith.constant 1 : i32
      scf.for %while3A_85 = %while3A_38 to %while3A_34 step %while3A_40  : i32 {
        %lt3A_86 = arith.cmpi slt, %while3A_85, %div3A_17 : i32
        %convert_element_type3A_87 = arith.extui %lt3A_86 : i1 to i32
        %cond3A_88 = arith.constant 0 : i32
        %cond3A_89 = arith.cmpi ne, %convert_element_type3A_87, %cond3A_88 : i32
        scf.if %cond3A_89 {
          %get3A_94 = arith.index_cast %while3A_85 : i32 to index
          %get3A_95 = arith.constant 0 : index
          %get3A_96 = arith.constant 0 : index
          %get3A_97 = vector.load %arg3[%get3A_94, %get3A_95, %get3A_96] : memref<8x1x2048xf32, #tpu.memory_space<vmem>>, vector<1x1x2048xf32>
          %get3A_98 = vector.shape_cast %get3A_97 : vector<1x1x2048xf32> to vector<1x2048xf32>
          %sub3A_99 = vector.broadcast %get3A_98 : vector<1x2048xf32> to vector<1024x2048xf32>
          %sub3A_100 = vector.broadcast %sub3A_13 : vector<1024x1xf32> to vector<1024x2048xf32>
          %sub3A_101 = arith.subf %sub3A_99, %sub3A_100 : vector<1024x2048xf32>
          %jit3A_102 = arith.constant 0.000000e+00 : f32
          %jit3A_103 = arith.constant 1.000000e+00 : f32
          %max3A_104 = vector.broadcast %jit3A_102 : f32 to vector<1024x2048xf32>
          %max3A_105 = arith.maximumf %max3A_104, %sub3A_101 : vector<1024x2048xf32>
          %min3A = vector.broadcast %jit3A_103 : f32 to vector<1024x2048xf32>
          %min3A_106 = arith.minimumf %min3A, %max3A_105 : vector<1024x2048xf32>
          %slice3A = vector.extract_strided_slice %min3A_106 {offsets = [0, 0], sizes = [1024, 128], strides = [1, 1]} : vector<1024x2048xf32> to vector<1024x128xf32>
          %slice3A_107 = vector.extract_strided_slice %min3A_106 {offsets = [0, 128], sizes = [1024, 128], strides = [1, 1]} : vector<1024x2048xf32> to vector<1024x128xf32>
          %add3A_108 = arith.addf %slice3A, %slice3A_107 : vector<1024x128xf32>
          %slice3A_109 = vector.extract_strided_slice %min3A_106 {offsets = [0, 256], sizes = [1024, 128], strides = [1, 1]} : vector<1024x2048xf32> to vector<1024x128xf32>
          %add3A_110 = arith.addf %add3A_108, %slice3A_109 : vector<1024x128xf32>
          %slice3A_111 = vector.extract_strided_slice %min3A_106 {offsets = [0, 384], sizes = [1024, 128], strides = [1, 1]} : vector<1024x2048xf32> to vector<1024x128xf32>
          %add3A_112 = arith.addf %add3A_110, %slice3A_111 : vector<1024x128xf32>
          %slice3A_113 = vector.extract_strided_slice %min3A_106 {offsets = [0, 512], sizes = [1024, 128], strides = [1, 1]} : vector<1024x2048xf32> to vector<1024x128xf32>
          %add3A_114 = arith.addf %add3A_112, %slice3A_113 : vector<1024x128xf32>
          %slice3A_115 = vector.extract_strided_slice %min3A_106 {offsets = [0, 640], sizes = [1024, 128], strides = [1, 1]} : vector<1024x2048xf32> to vector<1024x128xf32>
          %add3A_116 = arith.addf %add3A_114, %slice3A_115 : vector<1024x128xf32>
          %slice3A_117 = vector.extract_strided_slice %min3A_106 {offsets = [0, 768], sizes = [1024, 128], strides = [1, 1]} : vector<1024x2048xf32> to vector<1024x128xf32>
          %add3A_118 = arith.addf %add3A_116, %slice3A_117 : vector<1024x128xf32>
          %slice3A_119 = vector.extract_strided_slice %min3A_106 {offsets = [0, 896], sizes = [1024, 128], strides = [1, 1]} : vector<1024x2048xf32> to vector<1024x128xf32>
          %add3A_120 = arith.addf %add3A_118, %slice3A_119 : vector<1024x128xf32>
          %slice3A_121 = vector.extract_strided_slice %min3A_106 {offsets = [0, 1024], sizes = [1024, 128], strides = [1, 1]} : vector<1024x2048xf32> to vector<1024x128xf32>
          %add3A_122 = arith.addf %add3A_120, %slice3A_121 : vector<1024x128xf32>
          %slice3A_123 = vector.extract_strided_slice %min3A_106 {offsets = [0, 1152], sizes = [1024, 128], strides = [1, 1]} : vector<1024x2048xf32> to vector<1024x128xf32>
          %add3A_124 = arith.addf %add3A_122, %slice3A_123 : vector<1024x128xf32>
          %slice3A_125 = vector.extract_strided_slice %min3A_106 {offsets = [0, 1280], sizes = [1024, 128], strides = [1, 1]} : vector<1024x2048xf32> to vector<1024x128xf32>
          %add3A_126 = arith.addf %add3A_124, %slice3A_125 : vector<1024x128xf32>
          %slice3A_127 = vector.extract_strided_slice %min3A_106 {offsets = [0, 1408], sizes = [1024, 128], strides = [1, 1]} : vector<1024x2048xf32> to vector<1024x128xf32>
          %add3A_128 = arith.addf %add3A_126, %slice3A_127 : vector<1024x128xf32>
          %slice3A_129 = vector.extract_strided_slice %min3A_106 {offsets = [0, 1536], sizes = [1024, 128], strides = [1, 1]} : vector<1024x2048xf32> to vector<1024x128xf32>
          %add3A_130 = arith.addf %add3A_128, %slice3A_129 : vector<1024x128xf32>
          %slice3A_131 = vector.extract_strided_slice %min3A_106 {offsets = [0, 1664], sizes = [1024, 128], strides = [1, 1]} : vector<1024x2048xf32> to vector<1024x128xf32>
          %add3A_132 = arith.addf %add3A_130, %slice3A_131 : vector<1024x128xf32>
          %slice3A_133 = vector.extract_strided_slice %min3A_106 {offsets = [0, 1792], sizes = [1024, 128], strides = [1, 1]} : vector<1024x2048xf32> to vector<1024x128xf32>
          %add3A_134 = arith.addf %add3A_132, %slice3A_133 : vector<1024x128xf32>
          %slice3A_135 = vector.extract_strided_slice %min3A_106 {offsets = [0, 1920], sizes = [1024, 128], strides = [1, 1]} : vector<1024x2048xf32> to vector<1024x128xf32>
          %add3A_136 = arith.addf %add3A_134, %slice3A_135 : vector<1024x128xf32>
          %get3A_137 = arith.constant 0 : index
          %get3A_138 = arith.constant 0 : index
          %get3A_139 = vector.load %arg7[%get3A_137, %get3A_138] : memref<1024x128xf32, #tpu.memory_space<vmem>>, vector<1024x128xf32>
          %add3A_140 = arith.addf %get3A_139, %add3A_136 : vector<1024x128xf32>
          %swap3A_141 = arith.constant 0 : index
          %swap3A_142 = arith.constant 0 : index
          %swap3A_143 = vector.load %arg7[%swap3A_141, %swap3A_142] : memref<1024x128xf32, #tpu.memory_space<vmem>>, vector<1024x128xf32>
          tpu.vector_store %arg7[%swap3A_141, %swap3A_142], %add3A_140 {strides = array<i32>} : memref<1024x128xf32, #tpu.memory_space<vmem>>, vector<1024x128xf32>,
        } else {
        }
        %lt3A_90 = arith.cmpi slt, %while3A_85, %div3A_23 : i32
        %convert_element_type3A_91 = arith.extui %lt3A_90 : i1 to i32
        %cond3A_92 = arith.constant 0 : i32
        %cond3A_93 = arith.cmpi ne, %convert_element_type3A_91, %cond3A_92 : i32
        scf.if %cond3A_93 {
          %get3A_94 = arith.index_cast %while3A_85 : i32 to index
          %get3A_95 = arith.constant 0 : index
          %get3A_96 = arith.constant 0 : index
          %get3A_97 = vector.load %arg4[%get3A_94, %get3A_95, %get3A_96] : memref<8x1x2048xf32, #tpu.memory_space<vmem>>, vector<1x1x2048xf32>
          %get3A_98 = vector.shape_cast %get3A_97 : vector<1x1x2048xf32> to vector<1x2048xf32>
          %sub3A_99 = vector.broadcast %get3A_98 : vector<1x2048xf32> to vector<1024x2048xf32>
          %sub3A_100 = vector.broadcast %sub3A_13 : vector<1024x1xf32> to vector<1024x2048xf32>
          %sub3A_101 = arith.subf %sub3A_99, %sub3A_100 : vector<1024x2048xf32>
          %jit3A_102 = arith.constant 0.000000e+00 : f32
          %jit3A_103 = arith.constant 1.000000e+00 : f32
          %max3A_104 = vector.broadcast %jit3A_102 : f32 to vector<1024x2048xf32>
          %max3A_105 = arith.maximumf %max3A_104, %sub3A_101 : vector<1024x2048xf32>
          %min3A = vector.broadcast %jit3A_103 : f32 to vector<1024x2048xf32>
          %min3A_106 = arith.minimumf %min3A, %max3A_105 : vector<1024x2048xf32>
          %slice3A = vector.extract_strided_slice %min3A_106 {offsets = [0, 0], sizes = [1024, 128], strides = [1, 1]} : vector<1024x2048xf32> to vector<1024x128xf32>
          %slice3A_107 = vector.extract_strided_slice %min3A_106 {offsets = [0, 128], sizes = [1024, 128], strides = [1, 1]} : vector<1024x2048xf32> to vector<1024x128xf32>
          %add3A_108 = arith.addf %slice3A, %slice3A_107 : vector<1024x128xf32>
          %slice3A_109 = vector.extract_strided_slice %min3A_106 {offsets = [0, 256], sizes = [1024, 128], strides = [1, 1]} : vector<1024x2048xf32> to vector<1024x128xf32>
          %add3A_110 = arith.addf %add3A_108, %slice3A_109 : vector<1024x128xf32>
          %slice3A_111 = vector.extract_strided_slice %min3A_106 {offsets = [0, 384], sizes = [1024, 128], strides = [1, 1]} : vector<1024x2048xf32> to vector<1024x128xf32>
          %add3A_112 = arith.addf %add3A_110, %slice3A_111 : vector<1024x128xf32>
          %slice3A_113 = vector.extract_strided_slice %min3A_106 {offsets = [0, 512], sizes = [1024, 128], strides = [1, 1]} : vector<1024x2048xf32> to vector<1024x128xf32>
          %add3A_114 = arith.addf %add3A_112, %slice3A_113 : vector<1024x128xf32>
          %slice3A_115 = vector.extract_strided_slice %min3A_106 {offsets = [0, 640], sizes = [1024, 128], strides = [1, 1]} : vector<1024x2048xf32> to vector<1024x128xf32>
          %add3A_116 = arith.addf %add3A_114, %slice3A_115 : vector<1024x128xf32>
          %slice3A_117 = vector.extract_strided_slice %min3A_106 {offsets = [0, 768], sizes = [1024, 128], strides = [1, 1]} : vector<1024x2048xf32> to vector<1024x128xf32>
          %add3A_118 = arith.addf %add3A_116, %slice3A_117 : vector<1024x128xf32>
          %slice3A_119 = vector.extract_strided_slice %min3A_106 {offsets = [0, 896], sizes = [1024, 128], strides = [1, 1]} : vector<1024x2048xf32> to vector<1024x128xf32>
          %add3A_120 = arith.addf %add3A_118, %slice3A_119 : vector<1024x128xf32>
          %slice3A_121 = vector.extract_strided_slice %min3A_106 {offsets = [0, 1024], sizes = [1024, 128], strides = [1, 1]} : vector<1024x2048xf32> to vector<1024x128xf32>
          %add3A_122 = arith.addf %add3A_120, %slice3A_121 : vector<1024x128xf32>
          %slice3A_123 = vector.extract_strided_slice %min3A_106 {offsets = [0, 1152], sizes = [1024, 128], strides = [1, 1]} : vector<1024x2048xf32> to vector<1024x128xf32>
          %add3A_124 = arith.addf %add3A_122, %slice3A_123 : vector<1024x128xf32>
          %slice3A_125 = vector.extract_strided_slice %min3A_106 {offsets = [0, 1280], sizes = [1024, 128], strides = [1, 1]} : vector<1024x2048xf32> to vector<1024x128xf32>
          %add3A_126 = arith.addf %add3A_124, %slice3A_125 : vector<1024x128xf32>
          %slice3A_127 = vector.extract_strided_slice %min3A_106 {offsets = [0, 1408], sizes = [1024, 128], strides = [1, 1]} : vector<1024x2048xf32> to vector<1024x128xf32>
          %add3A_128 = arith.addf %add3A_126, %slice3A_127 : vector<1024x128xf32>
          %slice3A_129 = vector.extract_strided_slice %min3A_106 {offsets = [0, 1536], sizes = [1024, 128], strides = [1, 1]} : vector<1024x2048xf32> to vector<1024x128xf32>
          %add3A_130 = arith.addf %add3A_128, %slice3A_129 : vector<1024x128xf32>
          %slice3A_131 = vector.extract_strided_slice %min3A_106 {offsets = [0, 1664], sizes = [1024, 128], strides = [1, 1]} : vector<1024x2048xf32> to vector<1024x128xf32>
          %add3A_132 = arith.addf %add3A_130, %slice3A_131 : vector<1024x128xf32>
          %slice3A_133 = vector.extract_strided_slice %min3A_106 {offsets = [0, 1792], sizes = [1024, 128], strides = [1, 1]} : vector<1024x2048xf32> to vector<1024x128xf32>
          %add3A_134 = arith.addf %add3A_132, %slice3A_133 : vector<1024x128xf32>
          %slice3A_135 = vector.extract_strided_slice %min3A_106 {offsets = [0, 1920], sizes = [1024, 128], strides = [1, 1]} : vector<1024x2048xf32> to vector<1024x128xf32>
          %add3A_136 = arith.addf %add3A_134, %slice3A_135 : vector<1024x128xf32>
          %get3A_137 = arith.constant 0 : index
          %get3A_138 = arith.constant 0 : index
          %get3A_139 = vector.load %arg6[%get3A_137, %get3A_138] : memref<1024x128xf32, #tpu.memory_space<vmem>>, vector<1024x128xf32>
          %add3A_140 = arith.addf %get3A_139, %add3A_136 : vector<1024x128xf32>
          %swap3A_141 = arith.constant 0 : index
          %swap3A_142 = arith.constant 0 : index
          %swap3A_143 = vector.load %arg6[%swap3A_141, %swap3A_142] : memref<1024x128xf32, #tpu.memory_space<vmem>>, vector<1024x128xf32>
          tpu.vector_store %arg6[%swap3A_141, %swap3A_142], %add3A_140 {strides = array<i32>} : memref<1024x128xf32, #tpu.memory_space<vmem>>, vector<1024x128xf32>,
        } else {
        }
      }
      %get3A_41 = arith.constant 0 : index
      %get3A_42 = arith.constant 0 : index
      %get3A_43 = vector.load %arg6[%get3A_41, %get3A_42] : memref<1024x128xf32, #tpu.memory_space<vmem>>, vector<1024x128xf32>
      %reduce_sum3A = arith.constant dense<0.000000e+00> : vector<1024xf32>
      %reduce_sum3A_44 = vector.multi_reduction <add>, %get3A_43, %reduce_sum3A [1] : vector<1024x128xf32> to vector<1024xf32>
      %broadcast_in_dim3A_45 = vector.shape_cast %reduce_sum3A_44 : vector<1024xf32> to vector<1024x1xf32>
      %get3A_46 = arith.constant 0 : index
      %get3A_47 = arith.constant 0 : index
      %get3A_48 = vector.load %arg7[%get3A_46, %get3A_47] : memref<1024x128xf32, #tpu.memory_space<vmem>>, vector<1024x128xf32>
      %reduce_sum3A_49 = arith.constant dense<0.000000e+00> : vector<1024xf32>
      %reduce_sum3A_50 = vector.multi_reduction <add>, %get3A_48, %reduce_sum3A_49 [1] : vector<1024x128xf32> to vector<1024xf32>
      %broadcast_in_dim3A_51 = vector.shape_cast %reduce_sum3A_50 : vector<1024xf32> to vector<1024x1xf32>
      %mul3A_52 = arith.constant 2048 : i32
      %mul3A_53 = arith.muli %div3A_17, %mul3A_52 : i32
      %sub3A_54 = arith.subi %mul3A_53, %get3A_0 : i32
      %convert_element_type3A_55 = arith.sitofp %sub3A_54 : i32 to f32
      %add3A_56 = arith.addf %broadcast_in_dim3A_45, %broadcast_in_dim3A_51 : vector<1024x1xf32>
      %sub3A_57 = vector.broadcast %convert_element_type3A_55 : f32 to vector<1024x1xf32>
      %sub3A_58 = arith.subf %add3A_56, %sub3A_57 : vector<1024x1xf32>
      %gt3A = arith.constant 0.000000e+00 : f32
      %gt3A_59 = vector.broadcast %gt3A : f32 to vector<1024x1xf32>
      %gt3A_60 = arith.cmpf ogt, %sub3A_58, %gt3A_59 : vector<1024x1xf32>
      %jit3A = arith.constant 1.000000e+00 : f32
      %broadcast_in_dim3A_61 = vector.broadcast %jit3A : f32 to vector<1024x1xf32>
      %select_n3A = arith.select %gt3A_60, %sub3A_58, %broadcast_in_dim3A_61 : vector<1024x1xi1>, vector<1024x1xf32>
      %div3A_62 = arith.divf %broadcast_in_dim3A_45, %select_n3A : vector<1024x1xf32>
      %mul3A_63 = arith.constant 1024 : i32
      %mul3A_64 = arith.muli %arg0, %mul3A_63 : i32
      %iota3A = tpu.iota {dimensions = array<i32: 0>} : vector<1024x1xi32>
      %add3A_65 = vector.broadcast %mul3A_64 : i32 to vector<1024x1xi32>
      %add3A_66 = arith.addi %add3A_65, %iota3A : vector<1024x1xi32>
      %lt3A_67 = vector.broadcast %get3A_0 : i32 to vector<1024x1xi32>
      %lt3A_68 = arith.cmpi slt, %add3A_66, %lt3A_67 : vector<1024x1xi32>
      %jit3A_69 = arith.constant 0.000000e+00 : f32
      %broadcast_in_dim3A_70 = vector.broadcast %jit3A_69 : f32 to vector<1024x1xf32>
      %select_n3A_71 = arith.select %lt3A_68, %div3A_62, %broadcast_in_dim3A_70 : vector<1024x1xi1>, vector<1024x1xf32>
      %get3A_72 = arith.constant 0 : index
      %get3A_73 = arith.constant 0 : index
      %get3A_74 = vector.load %arg5[%get3A_72, %get3A_73] : memref<1x1xf32, #tpu.memory_space<vmem>>, vector<1x1xf32>
      %reduce_sum3A_75 = vector.shape_cast %select_n3A_71 : vector<1024x1xf32> to vector<1x1024x1xf32>
      %reduce_sum3A_76 = arith.constant dense<0.000000e+00> : vector<1xf32>
      %reduce_sum3A_77 = vector.multi_reduction <add>, %reduce_sum3A_75, %reduce_sum3A_76 [1, 2] : vector<1x1024x1xf32> to vector<1xf32>
      %reduce_sum3A_78 = vector.shape_cast %reduce_sum3A_77 : vector<1xf32> to vector<1x1x1xf32>
      %reduce_sum3A_79 = vector.extract %reduce_sum3A_78[0, 0, 0] : f32 from vector<1x1x1xf32>
      %broadcast_in_dim3A_80 = vector.broadcast %reduce_sum3A_79 : f32 to vector<1x1xf32>
      %add3A_81 = arith.addf %get3A_74, %broadcast_in_dim3A_80 : vector<1x1xf32>
      %swap3A_82 = arith.constant 0 : index
      %swap3A_83 = arith.constant 0 : index
      %swap3A_84 = vector.load %arg5[%swap3A_82, %swap3A_83] : memref<1x1xf32, #tpu.memory_space<vmem>>, vector<1x1xf32>
      tpu.vector_store %arg5[%swap3A_82, %swap3A_83], %add3A_81 {strides = array<i32>} : memref<1x1xf32, #tpu.memory_space<vmem>>, vector<1x1xf32>,
    } else {
    }
    return
  }
  func.func @transform_0(%arg0: i32) -> i32 {
    %c0_i32 = arith.constant 0 : i32
    %c0_i32_0 = arith.constant 0 : i32
    return %c0_i32 : i32
  }
  func.func @transform_1(%arg0: i32) -> (i32, i32) {
    %c0_i32 = arith.constant 0 : i32
    %c0_i32_0 = arith.constant 0 : i32
    return %arg0, %c0_i32 : i32, i32
  }
  func.func @transform_2(%arg0: i32) -> (i32, i32, i32) {
    %c0_i32 = arith.constant 0 : i32
    %c0_i32_0 = arith.constant 0 : i32
    %c0_i32_1 = arith.constant 0 : i32
    %c0_i32_2 = arith.constant 0 : i32
    return %c0_i32, %c0_i32_0, %c0_i32_1 : i32, i32, i32
  }
  func.func @transform_3(%arg0: i32) -> (i32, i32, i32) {
    %c0_i32 = arith.constant 0 : i32
    %c0_i32_0 = arith.constant 0 : i32
    %c0_i32_1 = arith.constant 0 : i32
    %c0_i32_2 = arith.constant 0 : i32
    return %c0_i32, %c0_i32_0, %c0_i32_1 : i32, i32, i32
  }
  func.func @transform_4(%arg0: i32) -> (i32, i32) {
    %c0_i32 = arith.constant 0 : i32
    %c0_i32_0 = arith.constant 0 : i32
    %c0_i32_1 = arith.constant 0 : i32
    return %c0_i32, %c0_i32_0 : i32, i32
  }
}

</mosaic_0001>

<sc_bundles>
// kernel: kernel.4.cloned.1.call-start
scs
__scs_entry_jumppad:
0x0: {  	(pc) =	sbr.rel $0x88, $3  }
0x1: {  	(tag) =	ssettag $0x0;
	lr =	simm.s32 $0x1  }
0x2: {  	[smem:$0x3F9F] =	sst lr;
	_ =	strace $0xD0000000  }
0x3: {  	_ = 	snop  }
0x4: {  	_ = 	snop  }
0x5: {  	_ = 	snop  }
0x6: {  	_ = 	snop  }
0x7: {  	_ = 	snop  }
__scs_overlays_trampoline_lowered:
0x8: {  	[smem:$0x3FAE] =	sst s0  }
0x9: {  	[smem:$0x3FAF] =	sst s1  }
0xa: {  	[smem:$0x3FB0] =	sst s2  }
0xb: {  	[smem:$0x3FB1] =	sst s3  }
0xc: {  	[smem:$0x3FB2] =	sst s4  }
0xd: {  	[smem:$0x3FB3] =	sst s5  }
0xe: {  	[smem:$0x3FB4] =	sst s6  }
0xf: {  	[smem:$0x3FB5] =	sst s7  }
0x10: {  	[smem:$0x3FB6] =	sst s8  }
0x11: {  	[smem:$0x3FB7] =	sst s9;
	s0 =	simm.s32 @!p0 $0x0  }
0x12: {  	s1 =	sld [smem:$0x3F9D];
	s0 =	simm.s32 @p0 $0x1  }
0x13: {  	[smem:$0x3FB8] =	sst s0;
	s0 =	simm.s32 @!p1 $0x0  }
0x14: {  	s2 =	sld [smem:$0x3F9C];
	s0 =	simm.s32 @p1 $0x1  }
0x15: {  	[smem:$0x3FB9] =	sst s0;
	s0 =	simm.s32 @!p2 $0x0  }
0x16: {  	s3 =	sld [smem:$0x3FDB];
	s0 =	simm.s32 @p2 $0x1  }
0x17: {  	s4 =	simm.s32 $0x1BF5;
	[smem:$0x3FBB] =	sst s0  }
0x18: {  	s0 =	sld [smem:$0x3F9E];
	_ =	swait.ge [sflag:s4], $0x0  }
0x19: {  	s7 =	sld [smem:$0x3F9F]  }
0x1a: {  	s8 =	sadd.s32 $0xFFFFE003, lr  }
0x1b: {  	s9 =	sadd.s32 $0xFFFFFEF7, lr;
	s5 =	simm.s32 $0xFFFFFFFF;
	p2 =	slt.u32 s8, $0xFFFFF086  }
0x1c: {  	p1 =	slt.u32 s9, $0xF7A;
	s5 =	simm.s32 @!p2 $0x0  }
0x1d: {  	s5 =	simm.s32 @p1 $0x1;
	p0 =	seq.s32 s7, s2  }
0x1e: {  	s7 =	smul.u32 @!p0 $0xF7A, s2;
	p2 =	seq.s32 @!p0 s5, $0x0  }
0x1f: {  	s9 =	smul.u32 $0xF7A, s1;
	s8 =	simm.s32 @!p0 $0x1BF5;
	p2 =	por !p2, p0  }
0x20: {  	[sflag:s8] =	ssyncset.s32 @!p0 $0xFFFFF086;
	s6 =	sadd.s32 @!p0 s3, s7;
	s7 =	simm.s32 @!p0 $0x108  }
0x21: {  	s3 =	sadd.s32 s3, s9;
	s6 =	sadd.s32 @!p0 $0x88, s6;
	s7 =	simm.s32 @p2 $0x1082  }
0x22: {  	[simem:s7], [sflag:s8] =	dma.local @!p0 [hbm:s6], $0xF7A  }
0x23: {  	s9 =	sor.u32 $0xD0000000, s2;
	s6 =	simm.s32 $0x108;
	_ =	swait.ge @!p0 [sflag:s8], $0x0  }
0x24: {  	s3 =	sadd.s32 $0x88, s3;
	s6 =	simm.s32 @!p1 $0x1082;
	[sflag:s4] =	ssyncset.s32 $0xFFFFF086  }
0x25: {  	[simem:s6], [sflag:s4] =	dma.local [hbm:s3], $0xF7A  }
0x26: {  	[smem:$0x3F9F] =	sst s1;
	(tag) =	ssettag s2;
	_ =	strace s9  }
0x27: {  	s1 =	sld [smem:$0x3FAF]  }
0x28: {  	s2 =	sld [smem:$0x3FB0]  }
0x29: {  	s4 =	sld [smem:$0x3FB2]  }
0x2a: {  	p0 =	seq.s32 s5, $0x0;
	s5 =	sld [smem:$0x3FB3]  }
0x2b: {  	s6 =	sld [smem:$0x3FB4]  }
0x2c: {  	s7 =	sld [smem:$0x3FB5]  }
0x2d: {  	s3 =	simm.s32 $0x108;
	s8 =	sld [smem:$0x3FB6]  }
0x2e: {  	s3 =	simm.s32 @!p0 $0x1082;
	s9 =	sld [smem:$0x3FB7]  }
0x2f: {  	lr =	sadd.s32 s0, s3;
	s0 =	sld [smem:$0x3FAE]  }
0x30: {  	s3 =	sld [smem:$0x3FB1]  }
0x31: {  	[smem:$0x3FBA] =	sst s10  }
0x32: {  	s10 =	sld [smem:$0x3FB8];
	_ =	sdelay $0x3  }
0x33: {  	p0 =	seq.s32 s10, $0x1;
	s10 =	sld [smem:$0x3FBA];
	_ =	sdelay $0x3  }
0x34: {  	[smem:$0x3FBA] =	sst s10  }
0x35: {  	s10 =	sld [smem:$0x3FB9];
	_ =	sdelay $0x3  }
0x36: {  	p1 =	seq.s32 s10, $0x1;
	s10 =	sld [smem:$0x3FBA];
	_ =	sdelay $0x3  }
0x37: {  	[smem:$0x3FBA] =	sst s10  }
0x38: {  	s10 =	sld [smem:$0x3FBB]  }
0x39: {  	_ = 	snop;
	(pc) =	sbr.ind lr, $3  }
0x3a: {  	_ = 	snop  }
0x3b: {  	_ = 	snop  }
0x3c: {  	p2 =	seq.s32 s10, $0x1;
	s10 =	sld [smem:$0x3FBA]  }
0x3d: {  	_ =	shalt  }
0x3e: {  	_ =	shalt  }
0x3f: {  	_ =	shalt  }
0x40: {  	_ =	shalt  }
0x41: {  	_ =	shalt  }
0x42: {  	_ =	shalt  }
0x43: {  	_ =	shalt  }
0x44: {  	_ =	shalt  }
0x45: {  	_ =	shalt  }
0x46: {  	_ =	shalt  }
0x47: {  	_ =	shalt  }
0x48: {  	_ =	shalt  }
0x49: {  	_ =	shalt  }
0x4a: {  	_ =	shalt  }
0x4b: {  	_ =	shalt  }
0x4c: {  	_ =	shalt  }
0x4d: {  	_ =	shalt  }
0x4e: {  	_ =	shalt  }
0x4f: {  	_ =	shalt  }
0x50: {  	_ =	shalt  }
0x51: {  	_ =	shalt  }
0x52: {  	_ =	shalt  }
0x53: {  	_ =	shalt  }
0x54: {  	_ =	shalt  }
0x55: {  	_ =	shalt  }
0x56: {  	_ =	shalt  }
0x57: {  	_ =	shalt  }
0x58: {  	_ =	shalt  }
0x59: {  	_ =	shalt  }
0x5a: {  	_ =	shalt  }
0x5b: {  	_ =	shalt  }
0x5c: {  	_ =	shalt  }
0x5d: {  	_ =	shalt  }
0x5e: {  	_ =	shalt  }
0x5f: {  	_ =	shalt  }
0x60: {  	_ =	shalt  }
0x61: {  	_ =	shalt  }
0x62: {  	_ =	shalt  }
0x63: {  	_ =	shalt  }
0x64: {  	_ =	shalt  }
0x65: {  	_ =	shalt  }
0x66: {  	_ =	shalt  }
0x67: {  	_ =	shalt  }
0x68: {  	_ =	shalt  }
0x69: {  	_ =	shalt  }
0x6a: {  	_ =	shalt  }
0x6b: {  	_ =	shalt  }
0x6c: {  	_ =	shalt  }
0x6d: {  	_ =	shalt  }
0x6e: {  	_ =	shalt  }
0x6f: {  	_ =	shalt  }
0x70: {  	_ =	shalt  }
0x71: {  	_ =	shalt  }
0x72: {  	_ =	shalt  }
0x73: {  	_ =	shalt  }
0x74: {  	_ =	shalt  }
0x75: {  	_ =	shalt  }
0x76: {  	_ =	shalt  }
0x77: {  	_ =	shalt  }
0x78: {  	_ =	shalt  }
0x79: {  	_ =	shalt  }
0x7a: {  	_ =	shalt  }
0x7b: {  	_ =	shalt  }
0x7c: {  	_ =	shalt  }
0x7d: {  	_ =	shalt  }
0x7e: {  	_ =	shalt  }
0x7f: {  	_ =	shalt  }
0x80: {  	_ =	shalt  }
0x81: {  	_ =	shalt  }
0x82: {  	_ =	shalt  }
0x83: {  	_ =	shalt  }
0x84: {  	_ =	shalt  }
0x85: {  	_ =	shalt  }
0x86: {  	_ =	shalt  }
0x87: {  	_ =	shalt  }
.Lfunc_end0:
.L_simem_size_0:
called_computation_lowered:
.L_overlay_start_0:
0x88: {  	s2 =	sld [smem:$0x3FD9]  }
0x89: {  	s3 =	sld [smem:$0x3FFE];
	_ =	sdelay $0x1  }
0x8a: {  	s1 =	srdreg.scid  }
0x8b: {  	s0 =	sand.u32 $0x1, s1  }
0x8c: {  	s17 =	sshll.u32 s0, $0xA;
	s2 =	sadd.s32 s3, s2  }
0x8d: {  	s2 =	sadd.s32 s2, s17  }
0x8e: {  	[smem:$0x3FC6] =	sst s2  }
0x8f: {  	_ = 	snop  }
0x90: {  	s2 =	sld [smem:$0x3FD0];
	(tm) =	ssettm $0x1  }
0x91: {  	s18 =	sld [smem:$0x3FFB];
	_ =	sdelay $0x3  }
0x92: {  	_ =	strace s18  }
0x93: {  	s3 =	sld [smem:$0x3FFC];
	_ =	sdelay $0x3  }
0x94: {  	_ =	strace s3  }
0x95: {  	s3 =	sld [smem:$0x3FFD];
	_ =	sdelay $0x3  }
0x96: {  	_ =	strace s3  }
0x97: {  	_ =	strace $0x8FFFFFFF  }
0x98: {  	s19 =	sld [smem:$0x3FDB];
	_ =	sdelay $0x1  }
0x99: {  	s4 =	simm.s32 $_scs_section_size  }
0x9a: {  	s5 =	simm.s32 $_size__tile_overlayer_lowered;
	s6 =	simm.s32 $_tile_overlayer_lowered  }
0x9b: {  	s22 =	simm.s32 $0x1BFF;
	s21 =	sshll.u32 s6, $0x1;
	s3 =	sadd.s32 s4, s19  }
0x9c: {  	s7 =	simm.s32 $0x0;
	s20 =	sshll.u32 s5, $0x1;
	s5 =	sadd.s32 s21, s3  }
0x9d: {  	[timem:s7], [sflag:s22] =	dma.local [hbm:s5], s20  }
0x9e: {  	_ =	swait.ge [sflag:s22], s20  }
0x9f: {  	s4 =	ssub.s32 $0x0, s20;
	[sflag:s22] =	ssyncset.done $0x0  }
0xa0: {  	[sflag:s22] =	ssyncadd.s32 s4;
	_ =	sdelay $0x1  }
0xa1: {  	s23 =	simm.s32 $0x1B8B  }
0xa2: {  	_ =	swait.ge [sflag:s23], $0x1  }
0xa3: {  	[sflag:s23] =	ssyncset.done $0x0  }
0xa4: {  	s25 =	simm.s32 $0x1B8E;
	s24 =	sld [smem:$0x3FFE];
	[sflag:s23] =	ssyncadd.s32 $0xFFFFFFFF  }
0xa5: {  	s26 =	simm.s32 $execute0_lowered;
	[smem:$0x3FD2] =	sst s25  }
0xa6: {  	s5 =	sshll.u32 s26, $0x1;
	_ =	strace $0x80000046;
	[dreg:$0x1] =	wrdreg $0xFFFFFFFF  }
0xa7: {  	s28 =	simm.s32 $_size_execute0_lowered;
	s3 =	sadd.s32 s3, s5;
	[dreg:$0x0] =	wrdreg $0x0  }
0xa8: {  	s5 =	sshll.u32 s28, $0x1;
	[dreg:$0x2] =	wrdreg s3  }
0xa9: {  	[dreg:$0x3] =	wrdreg s5  }
0xaa: {  	[dreg:$0x4] =	wrdreg $0xC0  }
0xab: {  	_ =	task [dreg:s7], $0x5FFFF  }
0xac: {  	[dreg:$0x1] =	wrdreg $0xFFFFFFFF  }
0xad: {  	[dreg:$0x0] =	wrdreg $0x60  }
0xae: {  	[dreg:$0x2] =	wrdreg s24  }
0xaf: {  	[dreg:$0x3] =	wrdreg s2  }
0xb0: {  	[dreg:$0x4] =	wrdreg $0x9  }
0xb1: {  	_ =	task.clear_ibuf [dreg:s7], $0x5FFFF;
	_ =	strace $0x90000046  }
0xb2: {  	s29 =	simm.s32 $0x9;
	_ =	strace $0x80000048  }
0xb3: {  	_ =	swait.ge [sflag:s29], $0x1  }
0xb4: {  	[sflag:s29] =	ssyncadd.s32 $0xFFFFFFFF  }
0xb5: {  	_ =	strace $0x90000048  }
0xb6: {  	_ =	sfence  }
0xb7: {  	s30 =	sld [smem:$0x0];
	_ =	sdelay $0x2  }
0xb8: {  	s31 =	sshll.u32 s1, $0xD;
	s1 =	sshrl.u32 s1, $0x2  }
0xb9: {  	s3 =	sand.u32 $0x4000, s31;
	s1 =	sadd.s32 s1, s30  }
0xba: {  	s0 =	sor.u32 s3, s0;
	s1 =	sshll.u32 s1, $0x11  }
0xbb: {  	s0 =	sor.u32 s1, s0  }
0xbc: {  	s0 =	sadd.s32 $0x8F2B, s0  }
0xbd: {  	[sflag:s0] =	ssyncadd.remote.s32 $0x1  }
0xbe: {  	_ =	sfence.sel $0xFFFF  }
0xbf: {  	[dreg:$0x0] =	wrdreg $0xFFFFFFFF;
	(pc) =	sbr.abs _section_cstart, $3  }
0xc0: {  	[dreg:$0x1] =	wrdreg $0xFFFFFFFF  }
0xc1: {  	_ =	task.clear_ibuf [dreg:s7], $0x2FFFF;
	_ =	strace $0x9FFFFFFF  }
0xc2: {  	(tm) =	ssettm $0x7FFFFFFF  }
0xc3: {  	_ =	shalt  }
tec
execute0_lowered:
.L_overlay_start_1:
0x0: {  	(tag) =	ssettag $0x1  }
0x1: {  	s0 =	srdreg.scid  }
0x2: {  	s4 =	sand.u32 $0x1, s0;
	s0 =	stileid.u32  }
0x3: {  	s3 =	sor.u32 s0, s4  }
0x4: {  	p0 =	sne.s32 s3, $0x0  }
.Ltmp0:
0x5: {  	_ = 	snop;
	(pc) =	sbr.rel @p0 .LBB2_7-.Ltmp0, $4  }
0x6: {  	_ = 	snop  }
0x7: {  	s6 =	rddreg [dreg:$0x0]  }
0x8: {  	s2 =	rddreg [dreg:$0x1]  }
0x9: {  	s1 =	rddreg [dreg:$0x2];
	_ =	strace $0x80000047  }
0xa: {  	s3 =	sadd.s32 $0xE00, s6;
	s7 =	ssub.s32 $0x2, s4  }
0xb: {  	s4 =	sadd.s32 $0x1600, s6;
	s5 =	sadd.s32 $0x1E00, s6;
	s6 =	sadd.s32 $0x2600, s6  }
0xc: {  	s9 =	simm.s32 $0x1;
	s10 =	simm.s32 $0x4000;
	s11 =	simm.s32 $0x8000  }
0xd: {  	v0 =	vimm.f32 $+Inf;
	v1 =	vimm.f32 $-Inf;
	v2 =	vimm.s32 $0x0;
	s12 =	simm.s32 $0xC080;
	s13 =	simm.s32 $0x10100;
	s8 =	sshrl.u32 s7, $0x1  }
0xe: {  	v3 =	vlaneseq.u32;
	vm0 =	vcmask $0x300;
	vm1 =	vcmask $0x704;
	s14 =	simm.s32 $0x0;
	s7 =	ssub.s32 s7, s8;
	s8 =	simm.s32 $0x0  }
.LBB2_2:
0xf: {  	[tilespmem:s8], [sflag:$0x1] =	stream.linear.gather [hbm4b:s3+s8], $0x4000, $0x38;
	[tilespmem:$0x10180] =	vst v63  }
0x10: {  	_ =	swait.ge [sflag:s9], $0x4000  }
0x11: {  	[sflag:s9] =	ssyncset.done $0x0  }
0x12: {  	[sflag:s9] =	ssyncadd.s32 $0xFFFFC000  }
0x13: {  	[tilespmem:s10], [sflag:$0x1] =	stream.linear.gather [hbm4b:s4+s8], $0x4000, $0x38;
	[tilespmem:$0x10180] =	vst v63  }
0x14: {  	_ =	swait.ge [sflag:s9], $0x4000  }
0x15: {  	[sflag:s9] =	ssyncset.done $0x0  }
0x16: {  	s15 =	simm.s32 $0x0;
	[sflag:s9] =	ssyncadd.s32 $0xFFFFC000  }
.LBB2_3:
0x17: {  	p0 =	sne.s32 s15, $0x10000  }
.Ltmp1:
0x18: {  	_ = 	snop;
	(pc) =	sbr.rel @p0 .LBB2_3-.Ltmp1, $4  }
0x19: {  	_ = 	snop  }
0x1a: {  	s16 =	sshra.s32 s15, $0x2  }
0x1b: {  	[tilespmem:s16+$0x8000] =	vst v0  }
0x1c: {  	s15 =	sadd.s32 $0x40, s15;
	[tilespmem:s16+$0xC080] =	vst v1  }
0x1d: {  	s16 =	simm.s32 $0x0  }
0x1e: {  	v4 =	vld [tilespmem:s16+$0x4000];
	_ =	sdelay $0x4  }
0x1f: {  	vm3 =	vgt.f32 v4, $0.0e+00  }
0x20: {  	v4 =	vsel vm3, $0x1, v2  }
0x21: {  	(xrf0) =	vadd.scan.msk.s32 $0xffff, v4;
	_ =	sdelay $0x1  }
0x22: {  	s15 =	simm.s32 $0x0  }
0x23: {  	v5 =	vmov s15;
	v4 =	vld [tilespmem:s16+$0x0]  }
0x24: {  	v5 =	vadd.s32 $0xFFFFFFFF, v5  }
0x25: {  	v5 =	vbroadcast v5, $0x0  }
0x26: {  	vm2 =	vmneg vm3;
	v6, _, _ =	vpop (xrf0)  }
0x27: {  	v7 =	vadd.s32 v6, v5;
	v5 =	vsub.s32 s15, v6;
	(v2sf) =	vpush v6, $0xF  }
0x28: {  	v4 =	vmul.f32 $5.000000000e+00, v4;
	v5 =	vadd.s32 v3, v5;
	_ =	sdelay $0x1  }
0x29: {  	v4 =	vadd.f32 $5.000000000e-01, v4;
	_ =	sdelay $0x1  }
0x2a: {  	s17 =	simm.s32 $0x40;
	s18 =	simm.s32 $0x80;
	s16 =	simm.s32 $0x0;
	[tilespmem:v7+s11+$0x0] =	vst.idx.msk vm3, v4  }
.LBB2_5:
0x2b: {  	p0 =	sne.s32 s18, $0xFFC0;
	s19 =	sshra.s32 s17, $0x2;
	[tilespmem:v5+s12+$0x0] =	vst.idx.msk vm2, v4;
	s17 =	smov.u32 s18  }
0x2c: {  	v4 =	vld [tilespmem:s19+$0x4000];
	_ =	sdelay $0x4  }
0x2d: {  	vm3 =	vgt.f32 v4, $0.0e+00  }
0x2e: {  	vm2 =	vmneg vm3;
	v4 =	vsel vm3, $0x1, v2  }
0x2f: {  	(xrf0) =	vadd.scan.msk.s32 $0xffff, v4  }
0x30: {  	s20 =	spop (v2sf)  }
0x31: {  	s15 =	sadd.s32 s15, s20;
	s16 =	ssub.s32 s16, s20  }
0x32: {  	v4 =	vld [tilespmem:s19+$0x0];
	v5 =	vmov s15;
	s16 =	sadd.s32 $0x10, s16  }
0x33: {  	v5 =	vadd.s32 $0xFFFFFFFF, v5  }
0x34: {  	v5 =	vbroadcast v5, $0x0  }
0x35: {  	v6, _, _ =	vpop (xrf0)  }
0x36: {  	v7 =	vadd.s32 v6, v5;
	v5 =	vsub.s32 s16, v6;
	(v2sf) =	vpush v6, $0xF  }
.Ltmp2:
0x37: {  	v4 =	vmul.f32 $5.000000000e+00, v4;
	v5 =	vadd.s32 v3, v5;
	(pc) =	sbr.rel @p0 .LBB2_5-.Ltmp2, $3  }
0x38: {  	_ = 	snop  }
0x39: {  	v4 =	vadd.f32 $5.000000000e-01, v4;
	_ =	sdelay $0x1  }
0x3a: {  	s18 =	sadd.s32 $0x40, s18;
	[tilespmem:v7+s11+$0x0] =	vst.idx.msk vm3, v4  }
0x3b: {  	_ =	sdelay $0x4  }
0x3c: {  	s17 =	sshra.s32 s17, $0x2;
	[tilespmem:v5+s12+$0x0] =	vst.idx.msk vm2, v4  }
0x3d: {  	v4 =	vld [tilespmem:s17+$0x4000];
	_ =	sdelay $0x4  }
0x3e: {  	vm2 =	vgt.f32 v4, $0.0e+00  }
0x3f: {  	v4 =	vsel vm2, $0x1, v2  }
0x40: {  	(xrf0) =	vadd.scan.msk.s32 $0xffff, v4;
	_ =	sdelay $0x5  }
0x41: {  	v4, _, _ =	vpop (xrf0)  }
0x42: {  	(v2sf) =	vpush v4, $0xF;
	_ =	sdelay $0x6  }
0x43: {  	s18 =	spop (v2sf)  }
0x44: {  	s15 =	sadd.s32 s15, s18  }
0x45: {  	v5 =	vld [tilespmem:s17+$0x0];
	v6 =	vmov s15  }
0x46: {  	v6 =	vadd.s32 $0xFFFFFFFF, v6  }
0x47: {  	s16 =	ssub.s32 s16, s18;
	v6 =	vbroadcast v6, $0x0  }
0x48: {  	s16 =	sadd.s32 $0x10, s16  }
0x49: {  	vm3 =	vmneg vm2;
	v6 =	vadd.s32 v4, v6;
	v4 =	vsub.s32 s16, v4  }
0x4a: {  	v5 =	vmul.f32 $5.000000000e+00, v5;
	v4 =	vadd.s32 v3, v4  }
0x4b: {  	s30 =	spop (v2sf)  }
0x4c: {  	v5 =	vadd.f32 $5.000000000e-01, v5;
	s15 =	sadd.s32 s15, s30  }
0x4d: {  	s16 =	ssub.s32 s16, s30;
	v7 =	vmov s15  }
0x4e: {  	[tilespmem:v6+s11+$0x0] =	vst.idx.msk vm2, v5;
	s31 =	sadd.s32 $0x10, s16;
	v63 =	vnsel vm0, $0x0, v7  }
0x4f: {  	[tilespmem:v4+s12+$0x0] =	vst.idx.msk vm3, v5;
	v4 =	vsel vm1, s31, v63  }
0x50: {  	[tilespmem:$0x10100] =	vst v4  }
0x51: {  	[hbm4b:s5+s8] =	stream.linear.scatter [tilespmem:s11], [sflag:$0x1], $0x4000, $0x38;
	[tilespmem:$0x10180] =	vst v63  }
0x52: {  	_ =	swait.ge [sflag:s9], $0x4000  }
0x53: {  	[sflag:s9] =	ssyncset.done $0x0  }
0x54: {  	[sflag:s9] =	ssyncadd.s32 $0xFFFFC000  }
0x55: {  	[hbm4b:s6+s8] =	stream.linear.scatter [tilespmem:s12], [sflag:$0x1], $0x4000, $0x38;
	[tilespmem:$0x10180] =	vst v63  }
0x56: {  	s14 =	sadd.s32 $0x1, s14;
	_ =	swait.ge [sflag:s9], $0x4000  }
0x57: {  	p0 =	sne.s32 s14, s7;
	[sflag:s9] =	ssyncset.done $0x0  }
.Ltmp3:
0x58: {  	[sflag:s9] =	ssyncadd.s32 $0xFFFFC000;
	(pc) =	sbr.rel @p0 .LBB2_2-.Ltmp3, $4  }
0x59: {  	[hbm4b:s2+s8] =	stream.linear.scatter [tilespmem:s13], [sflag:$0x1], $0x80, $0x38;
	[tilespmem:$0x10180] =	vst v63  }
0x5a: {  	_ =	swait.ge [sflag:s9], $0x80  }
0x5b: {  	[sflag:s9] =	ssyncset.done $0x0  }
0x5c: {  	[sflag:s9] =	ssyncadd.s32 $0xFFFFFF80  }
.LBB2_7:
0x5d: {  	_ =	sfence.sel $0x180000  }
0x5e: {  	[bflag:$0x0] =	sbarrier.arrive $0xFFFF  }
0x5f: {  	p0 =	sne.s32 s0, $0x0;
	_ =	strace $0x90000047  }
0x60: {  	s0 =	sadd.s32 @!p0 $0x100000, s1;
	[bflag:$0x2] =	sbarrier.arrive $0xFFFF  }
0x61: {  	[sflag:s0] =	ssyncadd.tile.s32 @!p0 $0x1;
	_ =	shalt  }
.Lfunc_end2:
_tile_overlayer_lowered:
.L_overlay_start_2:
0x62: {  	(tag) =	ssettag $0x2  }
0x63: {  	s0 =	rddreg [dreg:$0x0];
	s2 =	stileid.u32  }
0x64: {  	s1 =	rddreg [dreg:$0x1];
	p0 =	sne.s32 s2, $0x0  }
0x65: {  	s3 =	rddreg [dreg:$0x2];
	[bflag:$0x3] =	sbarrier.arrive $0xFFFF;
	s2 =	simm.s32 @!p0 $0x1C01  }
0x66: {  	[timem:s3], [sflag:s2] =	dma.local @!p0 [hbm:s0], s1  }
0x67: {  	s0 =	simm.s32 @!p0 $0x1  }
0x68: {  	_ =	swait.ge @!p0 [sflag:s0], s1  }
0x69: {  	s1 =	ssub.s32 @!p0 $0x0, s1;
	[sflag:s0] =	ssyncset.done @!p0 $0x0  }
0x6a: {  	[sflag:s0] =	ssyncadd.s32 @!p0 s1  }
0x6b: {  	[bflag:$0x3] =	sbarrier.arrive $0xFFFF  }
0x6c: {  	_ =	shalt  }

</sc_bundles>
